<compile_context>
chip_gen: v7x
topology: tpu7x:2x2x1
jax: 0.10.2.dev20260603
libtpu: 0.0.44.dev20260713+nightly
codegen_flags: <defaults>
</compile_context>

<pallas_src>
import functools

import jax
import jax.numpy as jnp
from jax import lax
from jax.experimental import pallas as pl
from jax.experimental.pallas import tpu as pltpu
from jax.experimental.pallas import tpu_sc as plsc

_LANES = 16


def _make_sc_histogram(n_nodes: int, n_edges: int):
    info = plsc.get_sparse_core_info()
    nc, ns = info.num_cores, info.num_subcores
    nw = nc * ns
    assert n_edges % (nw * _LANES) == 0
    blk = 128
    nblocks = n_edges // blk
    bpw = nblocks // nw
    extra = nblocks - bpw * nw
    dma_blocks = bpw + (1 if extra else 0)
    dma_len = dma_blocks * blk
    switch_tile = nw - extra

    mesh = plsc.VectorSubcoreMesh(core_axis_name="c", subcore_axis_name="s")

    @functools.partial(
        pl.kernel,
        mesh=mesh,
        out_type=jax.ShapeDtypeStruct((nw, n_nodes), jnp.float32),
        scratch_types=[
            pltpu.VMEM((2, dma_len), jnp.int32),
            pltpu.VMEM((dma_len,), jnp.float32),
            pltpu.VMEM((n_nodes,), jnp.float32),
        ],
        compiler_params=pltpu.CompilerParams(needs_layout_passes=False),
    )
    def hist_kernel(ei_hbm, w_hbm, out_hbm, idx_v, w_v, hist_v):
        wid = lax.axis_index("s") * nc + lax.axis_index("c")
        start_blk = wid * bpw + jnp.maximum(wid - switch_tile, 0)
        base = start_blk * blk
        pltpu.sync_copy(ei_hbm.at[:, pl.ds(base, dma_len)], idx_v)
        pltpu.sync_copy(w_hbm.at[pl.ds(base, dma_len)], w_v)

        zero = jnp.zeros((_LANES,), jnp.float32)

        def zbody(i, _):
            hist_v[pl.ds(i * _LANES, _LANES)] = zero
            return 0

        lax.fori_loop(0, n_nodes // _LANES, zbody, 0, unroll=8)

        def body(i, _):
            off = i * _LANES
            idx = idx_v[0, pl.ds(off, _LANES)]
            w = w_v[pl.ds(off, _LANES)]
            plsc.addupdate_scatter(hist_v, [idx], w)
            return 0

        lax.fori_loop(0, bpw * blk // _LANES, body, 0, unroll=8)

        if extra:
            @pl.when(wid >= switch_tile)
            def _():
                lax.fori_loop(
                    bpw * blk // _LANES, dma_blocks * blk // _LANES, body, 0,
                    unroll=8,
                )

        pltpu.sync_copy(hist_v, out_hbm.at[wid])

    return hist_kernel


def _dense_body(cp_ref, x_ref, w1_ref, b1_ref, w2t_ref, b2_ref, out_ref):
    n_nodes = x_ref.shape[0]
    s = jnp.dot(cp_ref[...], x_ref[...], preferred_element_type=jnp.float32,
                precision=jax.lax.Precision.HIGHEST)
    pooled = jnp.sum(s, axis=0, keepdims=True) * (1.0 / n_nodes)
    pooled = jnp.maximum(pooled, 0.0)
    z = jnp.sum(pooled * w1_ref[...], axis=1, keepdims=True) + b1_ref[...]
    z = jnp.maximum(z, 0.0)
    out_ref[...] = jnp.sum(z * w2t_ref[...], axis=0, keepdims=True) + b2_ref[...]


def kernel(x, edge_index, edge_attr, W1, b1, W2, b2):
    n_nodes, _ = x.shape
    n_edges = edge_attr.shape[0]

    cp = _make_sc_histogram(n_nodes, n_edges)(edge_index, edge_attr)

    out = pl.pallas_call(
        _dense_body,
        out_shape=jax.ShapeDtypeStruct((1, 1), jnp.float32),
    )(cp, x, W1, b1.reshape(-1, 1), W2.reshape(-1, 1), b2.reshape(1, 1))
    return out

# --- scband reference (transcript-rebuilt; emitter-appended) ---
"""Pipeline reference for scband-gcnnet-65498251264053 (READ-ONLY COPY).

The authoritative reference and input builder live on the scoring server;
editing this copy changes nothing except your own understanding.
"""

import jax, jax.numpy as jnp
import numpy as np

N_NODES = 10000
N_EDGES = 320000
D_FEAT = 128
H_LIN = 10


def setup_inputs(seed: int = 0) -> dict:
    key = jax.random.key(seed)
    ks = jax.random.split(key, 8)
    x = jax.random.normal(ks[0], (N_NODES, D_FEAT), dtype=jnp.float32)
    edge_index = jax.random.randint(ks[1], (2, N_EDGES), 0, N_NODES, dtype=jnp.int32)
    edge_attr = jax.random.uniform(ks[2], (N_EDGES,), dtype=jnp.float32)
    # learned params: lin1 (H_LIN x D_FEAT), out (1 x H_LIN)
    W1 = jax.random.normal(ks[3], (H_LIN, D_FEAT), dtype=jnp.float32) * (1.0 / np.sqrt(D_FEAT))
    b1 = jnp.zeros((H_LIN,), dtype=jnp.float32)
    W2 = jax.random.normal(ks[4], (1, H_LIN), dtype=jnp.float32) * (1.0 / np.sqrt(H_LIN))
    b2 = jnp.zeros((1,), dtype=jnp.float32)
    return {"x": x, "edge_index": edge_index, "edge_attr": edge_attr,
            "W1": W1, "b1": b1, "W2": W2, "b2": b2}


def reference(x, edge_index, edge_attr, W1, b1, W2, b2):
    # SimpleConv (default aggr='sum', no learned weights): out[dst] += x[src] * w_e
    src = edge_index[0]
    dst = edge_index[1]
    msgs = x[src] * edge_attr[:, None]                      # gather + weight
    h = jax.ops.segment_sum(msgs, dst, num_segments=x.shape[0])  # scatter-add
    # global_mean_pool with batch = zeros -> single graph mean over all nodes
    pooled = jnp.mean(h, axis=0, keepdims=True)             # [1, D_FEAT]
    pooled = jax.nn.relu(pooled)
    z = jax.nn.relu(pooled @ W1.T + b1)                     # [1, H_LIN]
    out = z @ W2.T + b2                                     # [1, 1]
    return out

if __name__ == "__main__":
    import jax
    _d = setup_inputs()
    print(jax.jit(kernel)(*tuple(_d.values())))

</pallas_src>

<mosaic_0001>
#map = affine_map<(d0, d1) -> (0, 0)>
#map1 = affine_map<(d0, d1) -> (0)>
module attributes {stable_mosaic.version = 14 : i64} {
  func.func @hist_kernel(%arg0: i32, %arg1: i32, %arg2: memref<2x320000xi32, #tpu.memory_space<hbm>>, %arg3: memref<320000xf32, #tpu.memory_space<hbm>>, %arg4: memref<32x10000xf32, #tpu.memory_space<hbm>>, %arg5: memref<2x10112xi32, #tpu.memory_space<vmem>>, %arg6: memref<10112xf32, #tpu.memory_space<vmem>>, %arg7: memref<10000xf32, #tpu.memory_space<vmem>>) attributes {dimension_semantics = [#tpu.dimension_semantics<core_parallel>, #tpu.dimension_semantics<subcore_parallel>], iteration_bounds = array<i64: 2, 16>, scalar_prefetch = 0 : i64, scratch_operands = 3 : i64, tpu.core_type = #tpu.core_type<sc_vector_subcore>, window_params = [{transform_indices = #map}, {transform_indices = #map1}, {transform_indices = #map}]} {
    %mul3A = arith.constant 2 : i32
    %mul3A_0 = arith.muli %arg1, %mul3A : i32
    %add3A = arith.addi %mul3A_0, %arg0 : i32
    %mul3A_1 = arith.constant 78 : i32
    %mul3A_2 = arith.muli %add3A, %mul3A_1 : i32
    %sub3A = arith.constant 28 : i32
    %sub3A_3 = arith.subi %add3A, %sub3A : i32
    %max3A = arith.constant 0 : i32
    %max3A_4 = arith.maxsi %sub3A_3, %max3A : i32
    %add3A_5 = arith.addi %mul3A_2, %max3A_4 : i32
    %mul3A_6 = arith.constant 128 : i32
    %mul3A_7 = arith.muli %add3A_5, %mul3A_6 : i32
    "tpu.region"() ({
      %run_scoped3A = tpu.sem_alloc : memref<!tpu.dma_semaphore, #tpu.memory_space<semaphore_mem>>
      %dma_start3A = arith.constant 0 : i32
      %dma_start3A_30 = tpu.memref_slice %arg2[%dma_start3A, %mul3A_7] : memref<2x320000xi32, #tpu.memory_space<hbm>> -> memref<2x10112xi32, #tpu.memory_space<hbm>>
      %dma_start3A_31 = arith.constant 0 : i32
      %dma_start3A_32 = tpu.memref_slice %arg2[%dma_start3A_31, %mul3A_7] : memref<2x320000xi32, #tpu.memory_space<hbm>> -> memref<2x10112xi32, #tpu.memory_space<hbm>>
      tpu.enqueue_dma source(%dma_start3A_32 : memref<2x10112xi32, #tpu.memory_space<hbm>>) target(%arg5 : memref<2x10112xi32, #tpu.memory_space<vmem>>) target_semaphore(%run_scoped3A : memref<!tpu.dma_semaphore, #tpu.memory_space<semaphore_mem>>)
      %dma_wait3A = arith.constant 0 : i32
      %dma_wait3A_33 = tpu.memref_slice %arg2[%dma_wait3A, %mul3A_7] : memref<2x320000xi32, #tpu.memory_space<hbm>> -> memref<2x10112xi32, #tpu.memory_space<hbm>>
      %dma_wait3A_34 = arith.constant 0 : i32
      %dma_wait3A_35 = tpu.memref_slice %arg2[%dma_wait3A_34, %mul3A_7] : memref<2x320000xi32, #tpu.memory_space<hbm>> -> memref<2x10112xi32, #tpu.memory_space<hbm>>
      tpu.wait_dma2 semaphore(%run_scoped3A : memref<!tpu.dma_semaphore, #tpu.memory_space<semaphore_mem>>) src(%dma_wait3A_35 : memref<2x10112xi32, #tpu.memory_space<hbm>>) dst(%arg5 : memref<2x10112xi32, #tpu.memory_space<vmem>>)
      tpu.yield
    }) : () -> ()
    "tpu.region"() ({
      %run_scoped3A = tpu.sem_alloc : memref<!tpu.dma_semaphore, #tpu.memory_space<semaphore_mem>>
      %dma_start3A = tpu.memref_slice %arg3[%mul3A_7] : memref<320000xf32, #tpu.memory_space<hbm>> -> memref<10112xf32, #tpu.memory_space<hbm>>
      %dma_start3A_30 = tpu.memref_slice %arg3[%mul3A_7] : memref<320000xf32, #tpu.memory_space<hbm>> -> memref<10112xf32, #tpu.memory_space<hbm>>
      tpu.enqueue_dma source(%dma_start3A_30 : memref<10112xf32, #tpu.memory_space<hbm>>) target(%arg6 : memref<10112xf32, #tpu.memory_space<vmem>>) target_semaphore(%run_scoped3A : memref<!tpu.dma_semaphore, #tpu.memory_space<semaphore_mem>>)
      %dma_wait3A = tpu.memref_slice %arg3[%mul3A_7] : memref<320000xf32, #tpu.memory_space<hbm>> -> memref<10112xf32, #tpu.memory_space<hbm>>
      %dma_wait3A_31 = tpu.memref_slice %arg3[%mul3A_7] : memref<320000xf32, #tpu.memory_space<hbm>> -> memref<10112xf32, #tpu.memory_space<hbm>>
      tpu.wait_dma2 semaphore(%run_scoped3A : memref<!tpu.dma_semaphore, #tpu.memory_space<semaphore_mem>>) src(%dma_wait3A_31 : memref<10112xf32, #tpu.memory_space<hbm>>) dst(%arg6 : memref<10112xf32, #tpu.memory_space<vmem>>)
      tpu.yield
    }) : () -> ()
    %broadcast_in_dim3A = arith.constant 0.000000e+00 : f32
    %broadcast_in_dim3A_8 = vector.broadcast %broadcast_in_dim3A : f32 to vector<16xf32>
    %scan3A = arith.constant 0 : i32
    %scan3A_9 = arith.constant 0 : i32
    %scan3A_10 = arith.constant 624 : i32
    %scan3A_11 = arith.addi %scan3A_9, %scan3A_10 : i32
    %scan3A_12 = arith.constant 8 : i32
    %scan3A_13 = scf.for %scan3A_30 = %scan3A_9 to %scan3A_11 step %scan3A_12 iter_args(%scan3A_31 = %scan3A) -> (i32)  : i32 {
      %mul3A_32 = arith.constant 16 : i32
      %mul3A_33 = arith.muli %scan3A_30, %mul3A_32 : i32
      %swap3A_34 = arith.index_cast %mul3A_33 : i32 to index
      %swap3A_35 = tpu.vector_load %arg7[%swap3A_34] {strides = array<i32>} : memref<10000xf32, #tpu.memory_space<vmem>>, vector<16xf32>,
      tpu.vector_store %arg7[%swap3A_34], %broadcast_in_dim3A_8 {strides = array<i32>} : memref<10000xf32, #tpu.memory_space<vmem>>, vector<16xf32>,
      %scan3A_36 = arith.constant 0 : i32
      %scan3A_37 = arith.constant 1 : i32
      %scan3A_38 = arith.addi %scan3A_30, %scan3A_37 : i32
      %mul3A_39 = arith.constant 16 : i32
      %mul3A_40 = arith.muli %scan3A_38, %mul3A_39 : i32
      %swap3A_41 = arith.index_cast %mul3A_40 : i32 to index
      %swap3A_42 = tpu.vector_load %arg7[%swap3A_41] {strides = array<i32>} : memref<10000xf32, #tpu.memory_space<vmem>>, vector<16xf32>,
      tpu.vector_store %arg7[%swap3A_41], %broadcast_in_dim3A_8 {strides = array<i32>} : memref<10000xf32, #tpu.memory_space<vmem>>, vector<16xf32>,
      %scan3A_43 = arith.constant 0 : i32
      %scan3A_44 = arith.constant 2 : i32
      %scan3A_45 = arith.addi %scan3A_30, %scan3A_44 : i32
      %mul3A_46 = arith.constant 16 : i32
      %mul3A_47 = arith.muli %scan3A_45, %mul3A_46 : i32
      %swap3A_48 = arith.index_cast %mul3A_47 : i32 to index
      %swap3A_49 = tpu.vector_load %arg7[%swap3A_48] {strides = array<i32>} : memref<10000xf32, #tpu.memory_space<vmem>>, vector<16xf32>,
      tpu.vector_store %arg7[%swap3A_48], %broadcast_in_dim3A_8 {strides = array<i32>} : memref<10000xf32, #tpu.memory_space<vmem>>, vector<16xf32>,
      %scan3A_50 = arith.constant 0 : i32
      %scan3A_51 = arith.constant 3 : i32
      %scan3A_52 = arith.addi %scan3A_30, %scan3A_51 : i32
      %mul3A_53 = arith.constant 16 : i32
      %mul3A_54 = arith.muli %scan3A_52, %mul3A_53 : i32
      %swap3A_55 = arith.index_cast %mul3A_54 : i32 to index
      %swap3A_56 = tpu.vector_load %arg7[%swap3A_55] {strides = array<i32>} : memref<10000xf32, #tpu.memory_space<vmem>>, vector<16xf32>,
      tpu.vector_store %arg7[%swap3A_55], %broadcast_in_dim3A_8 {strides = array<i32>} : memref<10000xf32, #tpu.memory_space<vmem>>, vector<16xf32>,
      %scan3A_57 = arith.constant 0 : i32
      %scan3A_58 = arith.constant 4 : i32
      %scan3A_59 = arith.addi %scan3A_30, %scan3A_58 : i32
      %mul3A_60 = arith.constant 16 : i32
      %mul3A_61 = arith.muli %scan3A_59, %mul3A_60 : i32
      %swap3A_62 = arith.index_cast %mul3A_61 : i32 to index
      %swap3A_63 = tpu.vector_load %arg7[%swap3A_62] {strides = array<i32>} : memref<10000xf32, #tpu.memory_space<vmem>>, vector<16xf32>,
      tpu.vector_store %arg7[%swap3A_62], %broadcast_in_dim3A_8 {strides = array<i32>} : memref<10000xf32, #tpu.memory_space<vmem>>, vector<16xf32>,
      %scan3A_64 = arith.constant 0 : i32
      %scan3A_65 = arith.constant 5 : i32
      %scan3A_66 = arith.addi %scan3A_30, %scan3A_65 : i32
      %mul3A_67 = arith.constant 16 : i32
      %mul3A_68 = arith.muli %scan3A_66, %mul3A_67 : i32
      %swap3A_69 = arith.index_cast %mul3A_68 : i32 to index
      %swap3A_70 = tpu.vector_load %arg7[%swap3A_69] {strides = array<i32>} : memref<10000xf32, #tpu.memory_space<vmem>>, vector<16xf32>,
      tpu.vector_store %arg7[%swap3A_69], %broadcast_in_dim3A_8 {strides = array<i32>} : memref<10000xf32, #tpu.memory_space<vmem>>, vector<16xf32>,
      %scan3A_71 = arith.constant 0 : i32
      %scan3A_72 = arith.constant 6 : i32
      %scan3A_73 = arith.addi %scan3A_30, %scan3A_72 : i32
      %mul3A_74 = arith.constant 16 : i32
      %mul3A_75 = arith.muli %scan3A_73, %mul3A_74 : i32
      %swap3A_76 = arith.index_cast %mul3A_75 : i32 to index
      %swap3A_77 = tpu.vector_load %arg7[%swap3A_76] {strides = array<i32>} : memref<10000xf32, #tpu.memory_space<vmem>>, vector<16xf32>,
      tpu.vector_store %arg7[%swap3A_76], %broadcast_in_dim3A_8 {strides = array<i32>} : memref<10000xf32, #tpu.memory_space<vmem>>, vector<16xf32>,
      %scan3A_78 = arith.constant 0 : i32
      %scan3A_79 = arith.constant 7 : i32
      %scan3A_80 = arith.addi %scan3A_30, %scan3A_79 : i32
      %mul3A_81 = arith.constant 16 : i32
      %mul3A_82 = arith.muli %scan3A_80, %mul3A_81 : i32
      %swap3A_83 = arith.index_cast %mul3A_82 : i32 to index
      %swap3A_84 = tpu.vector_load %arg7[%swap3A_83] {strides = array<i32>} : memref<10000xf32, #tpu.memory_space<vmem>>, vector<16xf32>,
      tpu.vector_store %arg7[%swap3A_83], %broadcast_in_dim3A_8 {strides = array<i32>} : memref<10000xf32, #tpu.memory_space<vmem>>, vector<16xf32>,
      %scan3A_85 = arith.constant 0 : i32
      scf.yield %scan3A_85 : i32
    }
    %scan3A_14 = arith.constant 624 : i32
    %scan3A_15 = arith.addi %scan3A_9, %scan3A_14 : i32
    %mul3A_16 = arith.constant 16 : i32
    %mul3A_17 = arith.muli %scan3A_15, %mul3A_16 : i32
    %swap3A = arith.index_cast %mul3A_17 : i32 to index
    %swap3A_18 = tpu.vector_load %arg7[%swap3A] {strides = array<i32>} : memref<10000xf32, #tpu.memory_space<vmem>>, vector<16xf32>,
    tpu.vector_store %arg7[%swap3A], %broadcast_in_dim3A_8 {strides = array<i32>} : memref<10000xf32, #tpu.memory_space<vmem>>, vector<16xf32>,
    %scan3A_19 = arith.constant 0 : i32
    %scan3A_20 = arith.constant 625 : i32
    %scan3A_21 = arith.constant 0 : i32
    %scan3A_22 = arith.constant 0 : i32
    %scan3A_23 = arith.constant 624 : i32
    %scan3A_24 = arith.addi %scan3A_22, %scan3A_23 : i32
    %scan3A_25 = arith.constant 8 : i32
    %scan3A_26 = scf.for %scan3A_30 = %scan3A_22 to %scan3A_24 step %scan3A_25 iter_args(%scan3A_31 = %scan3A_21) -> (i32)  : i32 {
      %mul3A_32 = arith.constant 16 : i32
      %mul3A_33 = arith.muli %scan3A_30, %mul3A_32 : i32
      %get3A = arith.constant 0 : i32
      %get3A_34 = arith.index_cast %get3A : i32 to index
      %get3A_35 = arith.index_cast %mul3A_33 : i32 to index
      %get3A_36 = tpu.vector_load %arg5[%get3A_34, %get3A_35] {strides = array<i32>} : memref<2x10112xi32, #tpu.memory_space<vmem>>, vector<16xi32>,
      %get3A_37 = arith.index_cast %mul3A_33 : i32 to index
      %get3A_38 = tpu.vector_load %arg6[%get3A_37] {strides = array<i32>} : memref<10112xf32, #tpu.memory_space<vmem>>, vector<16xf32>,
      tpu.vector_store_idx %arg7[%get3A_36], %get3A_38 {add = true} : memref<10000xf32, #tpu.memory_space<vmem>>[vector<16xi32>], vector<16xf32>,
      %scan3A_39 = arith.constant 0 : i32
      %scan3A_40 = arith.constant 1 : i32
      %scan3A_41 = arith.addi %scan3A_30, %scan3A_40 : i32
      %mul3A_42 = arith.constant 16 : i32
      %mul3A_43 = arith.muli %scan3A_41, %mul3A_42 : i32
      %get3A_44 = arith.constant 0 : i32
      %get3A_45 = arith.index_cast %get3A_44 : i32 to index
      %get3A_46 = arith.index_cast %mul3A_43 : i32 to index
      %get3A_47 = tpu.vector_load %arg5[%get3A_45, %get3A_46] {strides = array<i32>} : memref<2x10112xi32, #tpu.memory_space<vmem>>, vector<16xi32>,
      %get3A_48 = arith.index_cast %mul3A_43 : i32 to index
      %get3A_49 = tpu.vector_load %arg6[%get3A_48] {strides = array<i32>} : memref<10112xf32, #tpu.memory_space<vmem>>, vector<16xf32>,
      tpu.vector_store_idx %arg7[%get3A_47], %get3A_49 {add = true} : memref<10000xf32, #tpu.memory_space<vmem>>[vector<16xi32>], vector<16xf32>,
      %scan3A_50 = arith.constant 0 : i32
      %scan3A_51 = arith.constant 2 : i32
      %scan3A_52 = arith.addi %scan3A_30, %scan3A_51 : i32
      %mul3A_53 = arith.constant 16 : i32
      %mul3A_54 = arith.muli %scan3A_52, %mul3A_53 : i32
      %get3A_55 = arith.constant 0 : i32
      %get3A_56 = arith.index_cast %get3A_55 : i32 to index
      %get3A_57 = arith.index_cast %mul3A_54 : i32 to index
      %get3A_58 = tpu.vector_load %arg5[%get3A_56, %get3A_57] {strides = array<i32>} : memref<2x10112xi32, #tpu.memory_space<vmem>>, vector<16xi32>,
      %get3A_59 = arith.index_cast %mul3A_54 : i32 to index
      %get3A_60 = tpu.vector_load %arg6[%get3A_59] {strides = array<i32>} : memref<10112xf32, #tpu.memory_space<vmem>>, vector<16xf32>,
      tpu.vector_store_idx %arg7[%get3A_58], %get3A_60 {add = true} : memref<10000xf32, #tpu.memory_space<vmem>>[vector<16xi32>], vector<16xf32>,
      %scan3A_61 = arith.constant 0 : i32
      %scan3A_62 = arith.constant 3 : i32
      %scan3A_63 = arith.addi %scan3A_30, %scan3A_62 : i32
      %mul3A_64 = arith.constant 16 : i32
      %mul3A_65 = arith.muli %scan3A_63, %mul3A_64 : i32
      %get3A_66 = arith.constant 0 : i32
      %get3A_67 = arith.index_cast %get3A_66 : i32 to index
      %get3A_68 = arith.index_cast %mul3A_65 : i32 to index
      %get3A_69 = tpu.vector_load %arg5[%get3A_67, %get3A_68] {strides = array<i32>} : memref<2x10112xi32, #tpu.memory_space<vmem>>, vector<16xi32>,
      %get3A_70 = arith.index_cast %mul3A_65 : i32 to index
      %get3A_71 = tpu.vector_load %arg6[%get3A_70] {strides = array<i32>} : memref<10112xf32, #tpu.memory_space<vmem>>, vector<16xf32>,
      tpu.vector_store_idx %arg7[%get3A_69], %get3A_71 {add = true} : memref<10000xf32, #tpu.memory_space<vmem>>[vector<16xi32>], vector<16xf32>,
      %scan3A_72 = arith.constant 0 : i32
      %scan3A_73 = arith.constant 4 : i32
      %scan3A_74 = arith.addi %scan3A_30, %scan3A_73 : i32
      %mul3A_75 = arith.constant 16 : i32
      %mul3A_76 = arith.muli %scan3A_74, %mul3A_75 : i32
      %get3A_77 = arith.constant 0 : i32
      %get3A_78 = arith.index_cast %get3A_77 : i32 to index
      %get3A_79 = arith.index_cast %mul3A_76 : i32 to index
      %get3A_80 = tpu.vector_load %arg5[%get3A_78, %get3A_79] {strides = array<i32>} : memref<2x10112xi32, #tpu.memory_space<vmem>>, vector<16xi32>,
      %get3A_81 = arith.index_cast %mul3A_76 : i32 to index
      %get3A_82 = tpu.vector_load %arg6[%get3A_81] {strides = array<i32>} : memref<10112xf32, #tpu.memory_space<vmem>>, vector<16xf32>,
      tpu.vector_store_idx %arg7[%get3A_80], %get3A_82 {add = true} : memref<10000xf32, #tpu.memory_space<vmem>>[vector<16xi32>], vector<16xf32>,
      %scan3A_83 = arith.constant 0 : i32
      %scan3A_84 = arith.constant 5 : i32
      %scan3A_85 = arith.addi %scan3A_30, %scan3A_84 : i32
      %mul3A_86 = arith.constant 16 : i32
      %mul3A_87 = arith.muli %scan3A_85, %mul3A_86 : i32
      %get3A_88 = arith.constant 0 : i32
      %get3A_89 = arith.index_cast %get3A_88 : i32 to index
      %get3A_90 = arith.index_cast %mul3A_87 : i32 to index
      %get3A_91 = tpu.vector_load %arg5[%get3A_89, %get3A_90] {strides = array<i32>} : memref<2x10112xi32, #tpu.memory_space<vmem>>, vector<16xi32>,
      %get3A_92 = arith.index_cast %mul3A_87 : i32 to index
      %get3A_93 = tpu.vector_load %arg6[%get3A_92] {strides = array<i32>} : memref<10112xf32, #tpu.memory_space<vmem>>, vector<16xf32>,
      tpu.vector_store_idx %arg7[%get3A_91], %get3A_93 {add = true} : memref<10000xf32, #tpu.memory_space<vmem>>[vector<16xi32>], vector<16xf32>,
      %scan3A_94 = arith.constant 0 : i32
      %scan3A_95 = arith.constant 6 : i32
      %scan3A_96 = arith.addi %scan3A_30, %scan3A_95 : i32
      %mul3A_97 = arith.constant 16 : i32
      %mul3A_98 = arith.muli %scan3A_96, %mul3A_97 : i32
      %get3A_99 = arith.constant 0 : i32
      %get3A_100 = arith.index_cast %get3A_99 : i32 to index
      %get3A_101 = arith.index_cast %mul3A_98 : i32 to index
      %get3A_102 = tpu.vector_load %arg5[%get3A_100, %get3A_101] {strides = array<i32>} : memref<2x10112xi32, #tpu.memory_space<vmem>>, vector<16xi32>,
      %get3A_103 = arith.index_cast %mul3A_98 : i32 to index
      %get3A_104 = tpu.vector_load %arg6[%get3A_103] {strides = array<i32>} : memref<10112xf32, #tpu.memory_space<vmem>>, vector<16xf32>,
      tpu.vector_store_idx %arg7[%get3A_102], %get3A_104 {add = true} : memref<10000xf32, #tpu.memory_space<vmem>>[vector<16xi32>], vector<16xf32>,
      %scan3A_105 = arith.constant 0 : i32
      %scan3A_106 = arith.constant 7 : i32
      %scan3A_107 = arith.addi %scan3A_30, %scan3A_106 : i32
      %mul3A_108 = arith.constant 16 : i32
      %mul3A_109 = arith.muli %scan3A_107, %mul3A_108 : i32
      %get3A_110 = arith.constant 0 : i32
      %get3A_111 = arith.index_cast %get3A_110 : i32 to index
      %get3A_112 = arith.index_cast %mul3A_109 : i32 to index
      %get3A_113 = tpu.vector_load %arg5[%get3A_111, %get3A_112] {strides = array<i32>} : memref<2x10112xi32, #tpu.memory_space<vmem>>, vector<16xi32>,
      %get3A_114 = arith.index_cast %mul3A_109 : i32 to index
      %get3A_115 = tpu.vector_load %arg6[%get3A_114] {strides = array<i32>} : memref<10112xf32, #tpu.memory_space<vmem>>, vector<16xf32>,
      tpu.vector_store_idx %arg7[%get3A_113], %get3A_115 {add = true} : memref<10000xf32, #tpu.memory_space<vmem>>[vector<16xi32>], vector<16xf32>,
      %scan3A_116 = arith.constant 0 : i32
      scf.yield %scan3A_116 : i32
    }
    %scan3A_27 = arith.constant 624 : i32
    %ge3A = arith.constant 28 : i32
    %ge3A_28 = arith.cmpi sge, %add3A, %ge3A : i32
    %convert_element_type3A = arith.extui %ge3A_28 : i1 to i32
    %cond3A = arith.constant 0 : i32
    %cond3A_29 = arith.cmpi ne, %convert_element_type3A, %cond3A : i32
    scf.if %cond3A_29 {
      %scan3A_30 = arith.constant 0 : i32
      %scan3A_31 = arith.constant 624 : i32
      %mul3A_32 = arith.constant 16 : i32
      %mul3A_33 = arith.muli %scan3A_31, %mul3A_32 : i32
      %get3A = arith.constant 0 : i32
      %get3A_34 = arith.index_cast %get3A : i32 to index
      %get3A_35 = arith.index_cast %mul3A_33 : i32 to index
      %get3A_36 = tpu.vector_load %arg5[%get3A_34, %get3A_35] {strides = array<i32>} : memref<2x10112xi32, #tpu.memory_space<vmem>>, vector<16xi32>,
      %get3A_37 = arith.index_cast %mul3A_33 : i32 to index
      %get3A_38 = tpu.vector_load %arg6[%get3A_37] {strides = array<i32>} : memref<10112xf32, #tpu.memory_space<vmem>>, vector<16xf32>,
      tpu.vector_store_idx %arg7[%get3A_36], %get3A_38 {add = true} : memref<10000xf32, #tpu.memory_space<vmem>>[vector<16xi32>], vector<16xf32>,
      %scan3A_39 = arith.constant 0 : i32
      %scan3A_40 = arith.constant 625 : i32
      %mul3A_41 = arith.constant 16 : i32
      %mul3A_42 = arith.muli %scan3A_40, %mul3A_41 : i32
      %get3A_43 = arith.constant 0 : i32
      %get3A_44 = arith.index_cast %get3A_43 : i32 to index
      %get3A_45 = arith.index_cast %mul3A_42 : i32 to index
      %get3A_46 = tpu.vector_load %arg5[%get3A_44, %get3A_45] {strides = array<i32>} : memref<2x10112xi32, #tpu.memory_space<vmem>>, vector<16xi32>,
      %get3A_47 = arith.index_cast %mul3A_42 : i32 to index
      %get3A_48 = tpu.vector_load %arg6[%get3A_47] {strides = array<i32>} : memref<10112xf32, #tpu.memory_space<vmem>>, vector<16xf32>,
      tpu.vector_store_idx %arg7[%get3A_46], %get3A_48 {add = true} : memref<10000xf32, #tpu.memory_space<vmem>>[vector<16xi32>], vector<16xf32>,
      %scan3A_49 = arith.constant 0 : i32
      %scan3A_50 = arith.constant 626 : i32
      %mul3A_51 = arith.constant 16 : i32
      %mul3A_52 = arith.muli %scan3A_50, %mul3A_51 : i32
      %get3A_53 = arith.constant 0 : i32
      %get3A_54 = arith.index_cast %get3A_53 : i32 to index
      %get3A_55 = arith.index_cast %mul3A_52 : i32 to index
      %get3A_56 = tpu.vector_load %arg5[%get3A_54, %get3A_55] {strides = array<i32>} : memref<2x10112xi32, #tpu.memory_space<vmem>>, vector<16xi32>,
      %get3A_57 = arith.index_cast %mul3A_52 : i32 to index
      %get3A_58 = tpu.vector_load %arg6[%get3A_57] {strides = array<i32>} : memref<10112xf32, #tpu.memory_space<vmem>>, vector<16xf32>,
      tpu.vector_store_idx %arg7[%get3A_56], %get3A_58 {add = true} : memref<10000xf32, #tpu.memory_space<vmem>>[vector<16xi32>], vector<16xf32>,
      %scan3A_59 = arith.constant 0 : i32
      %scan3A_60 = arith.constant 627 : i32
      %mul3A_61 = arith.constant 16 : i32
      %mul3A_62 = arith.muli %scan3A_60, %mul3A_61 : i32
      %get3A_63 = arith.constant 0 : i32
      %get3A_64 = arith.index_cast %get3A_63 : i32 to index
      %get3A_65 = arith.index_cast %mul3A_62 : i32 to index
      %get3A_66 = tpu.vector_load %arg5[%get3A_64, %get3A_65] {strides = array<i32>} : memref<2x10112xi32, #tpu.memory_space<vmem>>, vector<16xi32>,
      %get3A_67 = arith.index_cast %mul3A_62 : i32 to index
      %get3A_68 = tpu.vector_load %arg6[%get3A_67] {strides = array<i32>} : memref<10112xf32, #tpu.memory_space<vmem>>, vector<16xf32>,
      tpu.vector_store_idx %arg7[%get3A_66], %get3A_68 {add = true} : memref<10000xf32, #tpu.memory_space<vmem>>[vector<16xi32>], vector<16xf32>,
      %scan3A_69 = arith.constant 0 : i32
      %scan3A_70 = arith.constant 628 : i32
      %mul3A_71 = arith.constant 16 : i32
      %mul3A_72 = arith.muli %scan3A_70, %mul3A_71 : i32
      %get3A_73 = arith.constant 0 : i32
      %get3A_74 = arith.index_cast %get3A_73 : i32 to index
      %get3A_75 = arith.index_cast %mul3A_72 : i32 to index
      %get3A_76 = tpu.vector_load %arg5[%get3A_74, %get3A_75] {strides = array<i32>} : memref<2x10112xi32, #tpu.memory_space<vmem>>, vector<16xi32>,
      %get3A_77 = arith.index_cast %mul3A_72 : i32 to index
      %get3A_78 = tpu.vector_load %arg6[%get3A_77] {strides = array<i32>} : memref<10112xf32, #tpu.memory_space<vmem>>, vector<16xf32>,
      tpu.vector_store_idx %arg7[%get3A_76], %get3A_78 {add = true} : memref<10000xf32, #tpu.memory_space<vmem>>[vector<16xi32>], vector<16xf32>,
      %scan3A_79 = arith.constant 0 : i32
      %scan3A_80 = arith.constant 629 : i32
      %mul3A_81 = arith.constant 16 : i32
      %mul3A_82 = arith.muli %scan3A_80, %mul3A_81 : i32
      %get3A_83 = arith.constant 0 : i32
      %get3A_84 = arith.index_cast %get3A_83 : i32 to index
      %get3A_85 = arith.index_cast %mul3A_82 : i32 to index
      %get3A_86 = tpu.vector_load %arg5[%get3A_84, %get3A_85] {strides = array<i32>} : memref<2x10112xi32, #tpu.memory_space<vmem>>, vector<16xi32>,
      %get3A_87 = arith.index_cast %mul3A_82 : i32 to index
      %get3A_88 = tpu.vector_load %arg6[%get3A_87] {strides = array<i32>} : memref<10112xf32, #tpu.memory_space<vmem>>, vector<16xf32>,
      tpu.vector_store_idx %arg7[%get3A_86], %get3A_88 {add = true} : memref<10000xf32, #tpu.memory_space<vmem>>[vector<16xi32>], vector<16xf32>,
      %scan3A_89 = arith.constant 0 : i32
      %scan3A_90 = arith.constant 630 : i32
      %mul3A_91 = arith.constant 16 : i32
      %mul3A_92 = arith.muli %scan3A_90, %mul3A_91 : i32
      %get3A_93 = arith.constant 0 : i32
      %get3A_94 = arith.index_cast %get3A_93 : i32 to index
      %get3A_95 = arith.index_cast %mul3A_92 : i32 to index
      %get3A_96 = tpu.vector_load %arg5[%get3A_94, %get3A_95] {strides = array<i32>} : memref<2x10112xi32, #tpu.memory_space<vmem>>, vector<16xi32>,
      %get3A_97 = arith.index_cast %mul3A_92 : i32 to index
      %get3A_98 = tpu.vector_load %arg6[%get3A_97] {strides = array<i32>} : memref<10112xf32, #tpu.memory_space<vmem>>, vector<16xf32>,
      tpu.vector_store_idx %arg7[%get3A_96], %get3A_98 {add = true} : memref<10000xf32, #tpu.memory_space<vmem>>[vector<16xi32>], vector<16xf32>,
      %scan3A_99 = arith.constant 0 : i32
      %scan3A_100 = arith.constant 631 : i32
      %mul3A_101 = arith.constant 16 : i32
      %mul3A_102 = arith.muli %scan3A_100, %mul3A_101 : i32
      %get3A_103 = arith.constant 0 : i32
      %get3A_104 = arith.index_cast %get3A_103 : i32 to index
      %get3A_105 = arith.index_cast %mul3A_102 : i32 to index
      %get3A_106 = tpu.vector_load %arg5[%get3A_104, %get3A_105] {strides = array<i32>} : memref<2x10112xi32, #tpu.memory_space<vmem>>, vector<16xi32>,
      %get3A_107 = arith.index_cast %mul3A_102 : i32 to index
      %get3A_108 = tpu.vector_load %arg6[%get3A_107] {strides = array<i32>} : memref<10112xf32, #tpu.memory_space<vmem>>, vector<16xf32>,
      tpu.vector_store_idx %arg7[%get3A_106], %get3A_108 {add = true} : memref<10000xf32, #tpu.memory_space<vmem>>[vector<16xi32>], vector<16xf32>,
      %scan3A_109 = arith.constant 0 : i32
      %scan3A_110 = arith.constant 8 : i32
    } else {
    }
    "tpu.region"() ({
      %run_scoped3A = tpu.sem_alloc : memref<!tpu.dma_semaphore, #tpu.memory_space<semaphore_mem>>
      %dma_start3A = arith.constant 0 : i32
      %dma_start3A_30 = tpu.memref_slice %arg4[%add3A, %dma_start3A] : memref<32x10000xf32, #tpu.memory_space<hbm>> -> memref<1x10000xf32, #tpu.memory_space<hbm>>
      %dma_start3A_31 = tpu.memref_squeeze %dma_start3A_30 : memref<1x10000xf32, #tpu.memory_space<hbm>> -> memref<10000xf32, #tpu.memory_space<hbm>>
      %dma_start3A_32 = arith.constant 0 : i32
      %dma_start3A_33 = tpu.memref_slice %arg4[%add3A, %dma_start3A_32] : memref<32x10000xf32, #tpu.memory_space<hbm>> -> memref<1x10000xf32, #tpu.memory_space<hbm>>
      %dma_start3A_34 = tpu.memref_squeeze %dma_start3A_33 : memref<1x10000xf32, #tpu.memory_space<hbm>> -> memref<10000xf32, #tpu.memory_space<hbm>>
      tpu.enqueue_dma source(%arg7 : memref<10000xf32, #tpu.memory_space<vmem>>) target(%dma_start3A_34 : memref<10000xf32, #tpu.memory_space<hbm>>) target_semaphore(%run_scoped3A : memref<!tpu.dma_semaphore, #tpu.memory_space<semaphore_mem>>)
      %dma_wait3A = arith.constant 0 : i32
      %dma_wait3A_35 = tpu.memref_slice %arg4[%add3A, %dma_wait3A] : memref<32x10000xf32, #tpu.memory_space<hbm>> -> memref<1x10000xf32, #tpu.memory_space<hbm>>
      %dma_wait3A_36 = tpu.memref_squeeze %dma_wait3A_35 : memref<1x10000xf32, #tpu.memory_space<hbm>> -> memref<10000xf32, #tpu.memory_space<hbm>>
      %dma_wait3A_37 = arith.constant 0 : i32
      %dma_wait3A_38 = tpu.memref_slice %arg4[%add3A, %dma_wait3A_37] : memref<32x10000xf32, #tpu.memory_space<hbm>> -> memref<1x10000xf32, #tpu.memory_space<hbm>>
      %dma_wait3A_39 = tpu.memref_squeeze %dma_wait3A_38 : memref<1x10000xf32, #tpu.memory_space<hbm>> -> memref<10000xf32, #tpu.memory_space<hbm>>
      tpu.wait_dma2 semaphore(%run_scoped3A : memref<!tpu.dma_semaphore, #tpu.memory_space<semaphore_mem>>) src(%arg7 : memref<10000xf32, #tpu.memory_space<vmem>>) dst(%dma_wait3A_39 : memref<10000xf32, #tpu.memory_space<hbm>>)
      tpu.yield
    }) : () -> ()
    return
  }
}

module attributes {stable_mosaic.version = 14 : i64} {
  func.func @_dense_body(%arg0: memref<32x10000xf32, #tpu.memory_space<vmem>>, %arg1: memref<10000x128xf32, #tpu.memory_space<vmem>>, %arg2: memref<10x128xf32, #tpu.memory_space<vmem>>, %arg3: memref<10x1xf32, #tpu.memory_space<vmem>>, %arg4: memref<10x1xf32, #tpu.memory_space<vmem>>, %arg5: memref<1x1xf32, #tpu.memory_space<vmem>>, %arg6: memref<1x1xf32, #tpu.memory_space<vmem>>) attributes {dimension_semantics = [], scalar_prefetch = 0 : i64, scratch_operands = 0 : i64, tpu.core_type = #tpu.core_type<tc>} {
    %get3A = arith.constant 0 : index
    %get3A_0 = arith.constant 0 : index
    %get3A_1 = vector.load %arg0[%get3A, %get3A_0] : memref<32x10000xf32, #tpu.memory_space<vmem>>, vector<32x10000xf32>
    %get3A_2 = arith.constant 0 : index
    %get3A_3 = arith.constant 0 : index
    %get3A_4 = vector.load %arg1[%get3A_2, %get3A_3] : memref<10000x128xf32, #tpu.memory_space<vmem>>, vector<10000x128xf32>
    %dot_general3A = arith.constant dense<0.000000e+00> : vector<32x128xf32>
    %dot_general3A_5 = tpu.matmul %get3A_1, %get3A_4, %dot_general3A {dimension_numbers = #tpu.dot_dimension_numbers<[1], [0], [0], [1], [0, 0, 1, 1], [], []>, precision = #tpu.contract_precision<fp32>, transpose_lhs_hint = false} : vector<32x10000xf32>, vector<10000x128xf32>, vector<32x128xf32> -> vector<32x128xf32>
    %reduce_sum3A = arith.constant dense<0.000000e+00> : vector<128xf32>
    %reduce_sum3A_6 = vector.multi_reduction <add>, %dot_general3A_5, %reduce_sum3A [0] : vector<32x128xf32> to vector<128xf32>
    %broadcast_in_dim3A = vector.shape_cast %reduce_sum3A_6 : vector<128xf32> to vector<1x128xf32>
    %mul3A = arith.constant 9.99999974E-5 : f32
    %mul3A_7 = vector.broadcast %mul3A : f32 to vector<1x128xf32>
    %mul3A_8 = arith.mulf %broadcast_in_dim3A, %mul3A_7 : vector<1x128xf32>
    %max3A = arith.constant 0.000000e+00 : f32
    %max3A_9 = vector.broadcast %max3A : f32 to vector<1x128xf32>
    %max3A_10 = arith.maximumf %mul3A_8, %max3A_9 : vector<1x128xf32>
    %get3A_11 = arith.constant 0 : index
    %get3A_12 = arith.constant 0 : index
    %get3A_13 = vector.load %arg2[%get3A_11, %get3A_12] : memref<10x128xf32, #tpu.memory_space<vmem>>, vector<10x128xf32>
    %mul3A_14 = vector.broadcast %max3A_10 : vector<1x128xf32> to vector<10x128xf32>
    %mul3A_15 = arith.mulf %mul3A_14, %get3A_13 : vector<10x128xf32>
    %reduce_sum3A_16 = arith.constant dense<0.000000e+00> : vector<10xf32>
    %reduce_sum3A_17 = vector.multi_reduction <add>, %mul3A_15, %reduce_sum3A_16 [1] : vector<10x128xf32> to vector<10xf32>
    %broadcast_in_dim3A_18 = vector.shape_cast %reduce_sum3A_17 : vector<10xf32> to vector<10x1xf32>
    %get3A_19 = arith.constant 0 : index
    %get3A_20 = arith.constant 0 : index
    %get3A_21 = vector.load %arg3[%get3A_19, %get3A_20] : memref<10x1xf32, #tpu.memory_space<vmem>>, vector<10x1xf32>
    %add3A = arith.addf %broadcast_in_dim3A_18, %get3A_21 : vector<10x1xf32>
    %max3A_22 = arith.constant 0.000000e+00 : f32
    %max3A_23 = vector.broadcast %max3A_22 : f32 to vector<10x1xf32>
    %max3A_24 = arith.maximumf %add3A, %max3A_23 : vector<10x1xf32>
    %get3A_25 = arith.constant 0 : index
    %get3A_26 = arith.constant 0 : index
    %get3A_27 = vector.load %arg4[%get3A_25, %get3A_26] : memref<10x1xf32, #tpu.memory_space<vmem>>, vector<10x1xf32>
    %mul3A_28 = arith.mulf %max3A_24, %get3A_27 : vector<10x1xf32>
    %reduce_sum3A_29 = arith.constant dense<0.000000e+00> : vector<1xf32>
    %reduce_sum3A_30 = vector.multi_reduction <add>, %mul3A_28, %reduce_sum3A_29 [0] : vector<10x1xf32> to vector<1xf32>
    %broadcast_in_dim3A_31 = vector.shape_cast %reduce_sum3A_30 : vector<1xf32> to vector<1x1xf32>
    %get3A_32 = arith.constant 0 : index
    %get3A_33 = arith.constant 0 : index
    %get3A_34 = vector.load %arg5[%get3A_32, %get3A_33] : memref<1x1xf32, #tpu.memory_space<vmem>>, vector<1x1xf32>
    %add3A_35 = arith.addf %broadcast_in_dim3A_31, %get3A_34 : vector<1x1xf32>
    %swap3A = arith.constant 0 : index
    %swap3A_36 = arith.constant 0 : index
    %swap3A_37 = vector.load %arg6[%swap3A, %swap3A_36] : memref<1x1xf32, #tpu.memory_space<vmem>>, vector<1x1xf32>
    tpu.vector_store %arg6[%swap3A, %swap3A_36], %add3A_35 {strides = array<i32>} : memref<1x1xf32, #tpu.memory_space<vmem>>, vector<1x1xf32>,
    return
  }
}

</mosaic_0001>

<sc_bundles>
// kernel: kernel.4.cloned.1.call-start
scs
__scs_entry_jumppad:
0x0: {  	(pc) =	sbr.rel $0x88, $3  }
0x1: {  	(tag) =	ssettag $0x0;
	lr =	simm.s32 $0x1  }
0x2: {  	[smem:$0x3F9A] =	sst lr;
	_ =	strace $0xD0000000  }
0x3: {  	_ = 	snop  }
0x4: {  	_ = 	snop  }
0x5: {  	_ = 	snop  }
0x6: {  	_ = 	snop  }
0x7: {  	_ = 	snop  }
__scs_overlays_trampoline_lowered:
0x8: {  	[smem:$0x3FA9] =	sst s0  }
0x9: {  	[smem:$0x3FAA] =	sst s1  }
0xa: {  	[smem:$0x3FAB] =	sst s2  }
0xb: {  	[smem:$0x3FAC] =	sst s3  }
0xc: {  	[smem:$0x3FAD] =	sst s4  }
0xd: {  	[smem:$0x3FAE] =	sst s5  }
0xe: {  	[smem:$0x3FAF] =	sst s6  }
0xf: {  	[smem:$0x3FB0] =	sst s7  }
0x10: {  	[smem:$0x3FB1] =	sst s8  }
0x11: {  	[smem:$0x3FB2] =	sst s9;
	s0 =	simm.s32 @!p0 $0x0  }
0x12: {  	s1 =	sld [smem:$0x3F98];
	s0 =	simm.s32 @p0 $0x1  }
0x13: {  	[smem:$0x3FB3] =	sst s0;
	s0 =	simm.s32 @!p1 $0x0  }
0x14: {  	s2 =	sld [smem:$0x3F97];
	s0 =	simm.s32 @p1 $0x1  }
0x15: {  	[smem:$0x3FB4] =	sst s0;
	s0 =	simm.s32 @!p2 $0x0  }
0x16: {  	s3 =	sld [smem:$0x3FDB];
	s0 =	simm.s32 @p2 $0x1  }
0x17: {  	s4 =	simm.s32 $0x1BF5;
	[smem:$0x3FB6] =	sst s0  }
0x18: {  	s0 =	sld [smem:$0x3F99];
	_ =	swait.ge [sflag:s4], $0x0  }
0x19: {  	s7 =	sld [smem:$0x3F9A]  }
0x1a: {  	s8 =	sadd.s32 $0xFFFFE003, lr  }
0x1b: {  	s9 =	sadd.s32 $0xFFFFFEF7, lr;
	s5 =	simm.s32 $0xFFFFFFFF;
	p2 =	slt.u32 s8, $0xFFFFF086  }
0x1c: {  	p1 =	slt.u32 s9, $0xF7A;
	s5 =	simm.s32 @!p2 $0x0  }
0x1d: {  	s5 =	simm.s32 @p1 $0x1;
	p0 =	seq.s32 s7, s2  }
0x1e: {  	s7 =	smul.u32 @!p0 $0xF7A, s2;
	p2 =	seq.s32 @!p0 s5, $0x0  }
0x1f: {  	s9 =	smul.u32 $0xF7A, s1;
	s8 =	simm.s32 @!p0 $0x1BF5;
	p2 =	por !p2, p0  }
0x20: {  	[sflag:s8] =	ssyncset.s32 @!p0 $0xFFFFF086;
	s6 =	sadd.s32 @!p0 s3, s7;
	s7 =	simm.s32 @!p0 $0x108  }
0x21: {  	s3 =	sadd.s32 s3, s9;
	s6 =	sadd.s32 @!p0 $0x88, s6;
	s7 =	simm.s32 @p2 $0x1082  }
0x22: {  	[simem:s7], [sflag:s8] =	dma.local @!p0 [hbm:s6], $0xF7A  }
0x23: {  	s9 =	sor.u32 $0xD0000000, s2;
	s6 =	simm.s32 $0x108;
	_ =	swait.ge @!p0 [sflag:s8], $0x0  }
0x24: {  	s3 =	sadd.s32 $0x88, s3;
	s6 =	simm.s32 @!p1 $0x1082;
	[sflag:s4] =	ssyncset.s32 $0xFFFFF086  }
0x25: {  	[simem:s6], [sflag:s4] =	dma.local [hbm:s3], $0xF7A  }
0x26: {  	[smem:$0x3F9A] =	sst s1;
	(tag) =	ssettag s2;
	_ =	strace s9  }
0x27: {  	s1 =	sld [smem:$0x3FAA]  }
0x28: {  	s2 =	sld [smem:$0x3FAB]  }
0x29: {  	s4 =	sld [smem:$0x3FAD]  }
0x2a: {  	p0 =	seq.s32 s5, $0x0;
	s5 =	sld [smem:$0x3FAE]  }
0x2b: {  	s6 =	sld [smem:$0x3FAF]  }
0x2c: {  	s7 =	sld [smem:$0x3FB0]  }
0x2d: {  	s3 =	simm.s32 $0x108;
	s8 =	sld [smem:$0x3FB1]  }
0x2e: {  	s3 =	simm.s32 @!p0 $0x1082;
	s9 =	sld [smem:$0x3FB2]  }
0x2f: {  	lr =	sadd.s32 s0, s3;
	s0 =	sld [smem:$0x3FA9]  }
0x30: {  	s3 =	sld [smem:$0x3FAC]  }
0x31: {  	[smem:$0x3FB5] =	sst s10  }
0x32: {  	s10 =	sld [smem:$0x3FB3];
	_ =	sdelay $0x3  }
0x33: {  	p0 =	seq.s32 s10, $0x1;
	s10 =	sld [smem:$0x3FB5];
	_ =	sdelay $0x3  }
0x34: {  	[smem:$0x3FB5] =	sst s10  }
0x35: {  	s10 =	sld [smem:$0x3FB4];
	_ =	sdelay $0x3  }
0x36: {  	p1 =	seq.s32 s10, $0x1;
	s10 =	sld [smem:$0x3FB5];
	_ =	sdelay $0x3  }
0x37: {  	[smem:$0x3FB5] =	sst s10  }
0x38: {  	s10 =	sld [smem:$0x3FB6]  }
0x39: {  	_ = 	snop;
	(pc) =	sbr.ind lr, $3  }
0x3a: {  	_ = 	snop  }
0x3b: {  	_ = 	snop  }
0x3c: {  	p2 =	seq.s32 s10, $0x1;
	s10 =	sld [smem:$0x3FB5]  }
0x3d: {  	_ =	shalt  }
0x3e: {  	_ =	shalt  }
0x3f: {  	_ =	shalt  }
0x40: {  	_ =	shalt  }
0x41: {  	_ =	shalt  }
0x42: {  	_ =	shalt  }
0x43: {  	_ =	shalt  }
0x44: {  	_ =	shalt  }
0x45: {  	_ =	shalt  }
0x46: {  	_ =	shalt  }
0x47: {  	_ =	shalt  }
0x48: {  	_ =	shalt  }
0x49: {  	_ =	shalt  }
0x4a: {  	_ =	shalt  }
0x4b: {  	_ =	shalt  }
0x4c: {  	_ =	shalt  }
0x4d: {  	_ =	shalt  }
0x4e: {  	_ =	shalt  }
0x4f: {  	_ =	shalt  }
0x50: {  	_ =	shalt  }
0x51: {  	_ =	shalt  }
0x52: {  	_ =	shalt  }
0x53: {  	_ =	shalt  }
0x54: {  	_ =	shalt  }
0x55: {  	_ =	shalt  }
0x56: {  	_ =	shalt  }
0x57: {  	_ =	shalt  }
0x58: {  	_ =	shalt  }
0x59: {  	_ =	shalt  }
0x5a: {  	_ =	shalt  }
0x5b: {  	_ =	shalt  }
0x5c: {  	_ =	shalt  }
0x5d: {  	_ =	shalt  }
0x5e: {  	_ =	shalt  }
0x5f: {  	_ =	shalt  }
0x60: {  	_ =	shalt  }
0x61: {  	_ =	shalt  }
0x62: {  	_ =	shalt  }
0x63: {  	_ =	shalt  }
0x64: {  	_ =	shalt  }
0x65: {  	_ =	shalt  }
0x66: {  	_ =	shalt  }
0x67: {  	_ =	shalt  }
0x68: {  	_ =	shalt  }
0x69: {  	_ =	shalt  }
0x6a: {  	_ =	shalt  }
0x6b: {  	_ =	shalt  }
0x6c: {  	_ =	shalt  }
0x6d: {  	_ =	shalt  }
0x6e: {  	_ =	shalt  }
0x6f: {  	_ =	shalt  }
0x70: {  	_ =	shalt  }
0x71: {  	_ =	shalt  }
0x72: {  	_ =	shalt  }
0x73: {  	_ =	shalt  }
0x74: {  	_ =	shalt  }
0x75: {  	_ =	shalt  }
0x76: {  	_ =	shalt  }
0x77: {  	_ =	shalt  }
0x78: {  	_ =	shalt  }
0x79: {  	_ =	shalt  }
0x7a: {  	_ =	shalt  }
0x7b: {  	_ =	shalt  }
0x7c: {  	_ =	shalt  }
0x7d: {  	_ =	shalt  }
0x7e: {  	_ =	shalt  }
0x7f: {  	_ =	shalt  }
0x80: {  	_ =	shalt  }
0x81: {  	_ =	shalt  }
0x82: {  	_ =	shalt  }
0x83: {  	_ =	shalt  }
0x84: {  	_ =	shalt  }
0x85: {  	_ =	shalt  }
0x86: {  	_ =	shalt  }
0x87: {  	_ =	shalt  }
.Lfunc_end0:
.L_simem_size_0:
called_computation_lowered:
.L_overlay_start_0:
0x88: {  	s2 =	sld [smem:$0x3FD9]  }
0x89: {  	s3 =	sld [smem:$0x3FFE];
	_ =	sdelay $0x1  }
0x8a: {  	s1 =	srdreg.scid  }
0x8b: {  	s0 =	sand.u32 $0x1, s1  }
0x8c: {  	s17 =	sshll.u32 s0, $0xA;
	s2 =	sadd.s32 s3, s2  }
0x8d: {  	s2 =	sadd.s32 s2, s17  }
0x8e: {  	[smem:$0x3FC1] =	sst s2  }
0x8f: {  	_ = 	snop  }
0x90: {  	s2 =	sld [smem:$0x3FC8]  }
0x91: {  	s18 =	sld [smem:$0x3FC7];
	(tm) =	ssettm $0x1  }
0x92: {  	s4 =	sld [smem:$0x3FFB];
	_ =	sdelay $0x3  }
0x93: {  	_ =	strace s4  }
0x94: {  	s4 =	sld [smem:$0x3FFC];
	_ =	sdelay $0x3  }
0x95: {  	_ =	strace s4  }
0x96: {  	s4 =	sld [smem:$0x3FFD];
	_ =	sdelay $0x3  }
0x97: {  	_ =	strace s4  }
0x98: {  	_ =	strace $0x8FFFFFFF  }
0x99: {  	s19 =	sld [smem:$0x3FDB];
	_ =	sdelay $0x1  }
0x9a: {  	s5 =	simm.s32 $_scs_section_size  }
0x9b: {  	s6 =	simm.s32 $_size__tile_overlayer_lowered;
	s7 =	simm.s32 $_tile_overlayer_lowered  }
0x9c: {  	s22 =	simm.s32 $0x1BFF;
	s21 =	sshll.u32 s7, $0x1;
	s4 =	sadd.s32 s5, s19  }
0x9d: {  	s8 =	simm.s32 $0x0;
	s20 =	sshll.u32 s6, $0x1;
	s6 =	sadd.s32 s21, s4  }
0x9e: {  	[timem:s8], [sflag:s22] =	dma.local [hbm:s6], s20  }
0x9f: {  	_ =	swait.ge [sflag:s22], s20  }
0xa0: {  	s5 =	ssub.s32 $0x0, s20;
	[sflag:s22] =	ssyncset.done $0x0  }
0xa1: {  	[sflag:s22] =	ssyncadd.s32 s5;
	_ =	sdelay $0x1  }
0xa2: {  	s23 =	simm.s32 $0x1B8B  }
0xa3: {  	_ =	swait.ge [sflag:s23], $0x1  }
0xa4: {  	[sflag:s23] =	ssyncset.done $0x0  }
0xa5: {  	s25 =	simm.s32 $0x1B8E;
	s24 =	sld [smem:$0x3FFE];
	[sflag:s23] =	ssyncadd.s32 $0xFFFFFFFF  }
0xa6: {  	s26 =	simm.s32 $execute0_lowered;
	[smem:$0x3FD2] =	sst s25  }
0xa7: {  	s6 =	sshll.u32 s26, $0x1;
	_ =	strace $0x80000046;
	[dreg:$0x1] =	wrdreg $0xFFFFFFFF  }
0xa8: {  	s28 =	simm.s32 $_size_execute0_lowered;
	s4 =	sadd.s32 s4, s6;
	[dreg:$0x0] =	wrdreg $0x0  }
0xa9: {  	s6 =	sshll.u32 s28, $0x1;
	[dreg:$0x2] =	wrdreg s4  }
0xaa: {  	[dreg:$0x3] =	wrdreg s6  }
0xab: {  	[dreg:$0x4] =	wrdreg $0xC0  }
0xac: {  	_ =	task [dreg:s8], $0x5FFFF  }
0xad: {  	[dreg:$0x1] =	wrdreg $0xFFFFFFFF  }
0xae: {  	[dreg:$0x0] =	wrdreg $0x60  }
0xaf: {  	[dreg:$0x2] =	wrdreg s2  }
0xb0: {  	[dreg:$0x3] =	wrdreg s18  }
0xb1: {  	[dreg:$0x4] =	wrdreg s24  }
0xb2: {  	[dreg:$0x5] =	wrdreg $0x9  }
0xb3: {  	_ =	task.clear_ibuf [dreg:s8], $0x6FFFF;
	_ =	strace $0x90000046  }
0xb4: {  	s29 =	simm.s32 $0x9;
	_ =	strace $0x80000048  }
0xb5: {  	_ =	swait.ge [sflag:s29], $0x1  }
0xb6: {  	[sflag:s29] =	ssyncadd.s32 $0xFFFFFFFF  }
0xb7: {  	_ =	strace $0x90000048  }
0xb8: {  	_ =	sfence  }
0xb9: {  	s30 =	sld [smem:$0x0];
	_ =	sdelay $0x2  }
0xba: {  	s31 =	sshll.u32 s1, $0xD;
	s1 =	sshrl.u32 s1, $0x2  }
0xbb: {  	s3 =	sand.u32 $0x4000, s31;
	s1 =	sadd.s32 s1, s30  }
0xbc: {  	s0 =	sor.u32 s3, s0;
	s1 =	sshll.u32 s1, $0x11  }
0xbd: {  	s0 =	sor.u32 s1, s0  }
0xbe: {  	s0 =	sadd.s32 $0x8F2B, s0  }
0xbf: {  	[sflag:s0] =	ssyncadd.remote.s32 $0x1  }
0xc0: {  	_ =	sfence.sel $0xFFFF  }
0xc1: {  	[dreg:$0x0] =	wrdreg $0xFFFFFFFF;
	(pc) =	sbr.abs _section_cstart, $3  }
0xc2: {  	[dreg:$0x1] =	wrdreg $0xFFFFFFFF  }
0xc3: {  	_ =	task.clear_ibuf [dreg:s8], $0x2FFFF;
	_ =	strace $0x9FFFFFFF  }
0xc4: {  	(tm) =	ssettm $0x7FFFFFFF  }
0xc5: {  	_ =	shalt  }
tec
execute0_lowered:
.L_overlay_start_1:
0x0: {  	(tag) =	ssettag $0x1  }
0x1: {  	s3 =	rddreg [dreg:$0x0]  }
0x2: {  	s1 =	srdreg.scid;
	s4 =	rddreg [dreg:$0x1]  }
0x3: {  	s0 =	stileid.u32;
	s6 =	rddreg [dreg:$0x2];
	s11 =	simm.s32 $0x400  }
0x4: {  	s12 =	simm.s32 $0x0;
	s5 =	sand.u32 $0x1, s1;
	s29 =	sshll.u32 s0, $0x1  }
0x5: {  	s2 =	sshrl.u32 s0, $0x2;
	s1 =	rddreg [dreg:$0x3];
	p0 =	slt.u32 s0, $0xE  }
0x6: {  	s7 =	sor.u32 s5, s29;
	s8 =	smul.u32 $0x13C00, s2;
	s2 =	simm.s32 $0x0  }
0x7: {  	s5 =	ssub.s32 $0x2, s5;
	s9 =	sshll.u32 s7, $0x7;
	s10 =	smul.u32 $0x4E, s7  }
0x8: {  	[smem:$0x7FF] =	sst s2;
	s7 =	smax.u32 s7, $0x1C;
	s9 =	sand.u32 $0x380, s9  }
0x9: {  	s30 =	sshrl.u32 s5, $0x1;
	_ =	strace $0x80000047;
	s8 =	sor.u32 s8, s9  }
0xa: {  	s7 =	sadd.s32 s10, s7;
	s9 =	simm.s32 $0x7680;
	s8 =	sshrl.u32 s8, $0x3  }
0xb: {  	s10 =	simm.s32 $0x80;
	s7 =	sadd.s32 $0xFFFFFFE4, s7;
	s6 =	sadd.s32 s8, s6  }
0xc: {  	s31 =	sshll.u32 s7, $0x5;
	s7 =	sshll.u32 s7, $0x4;
	s8 =	ssub.s32 s5, s30  }
0xd: {  	s3 =	sadd.s32 s3, s31;
	s4 =	sadd.s32 s4, s7;
	s5 =	sadd.s32 $0x1400, s6  }
0xe: {  	v0 =	vimm.f32 $0.0e+00;
	s6 =	smax.u32 s8, $0x1;
	s7 =	simm.s32 $0x1;
	s8 =	simm.s32 $0x4F00  }
.LBB2_1:
0xf: {  	[tilespmem:s2], [sflag:$0x1] =	stream.linear.gather [hbm4b:s3+s2], $0x4F00, $0x38;
	[tilespmem:$0x9E00] =	vst v63  }
0x10: {  	_ =	swait.ge [sflag:s7], $0x4F00  }
0x11: {  	[sflag:s7] =	ssyncset.done $0x0  }
0x12: {  	[sflag:s7] =	ssyncadd.s32 $0xFFFFB100  }
0x13: {  	[tilespmem:s8], [sflag:$0x1] =	stream.linear.gather [hbm4b:s4+s2], $0x2780, $0x38;
	[tilespmem:$0x9E00] =	vst v63  }
0x14: {  	_ =	swait.ge [sflag:s7], $0x2780  }
0x15: {  	[sflag:s7] =	ssyncset.done $0x0  }
0x16: {  	s13 =	simm.s32 $0x76C0;
	[sflag:s7] =	ssyncadd.s32 $0xFFFFD880  }
0x17: {  	[tilespmem:s13+$0xFFFFFFC0] =	vst v0  }
0x18: {  	[tilespmem:s13+$0x30] =	vst v0  }
0x19: {  	[tilespmem:s13+$0x20] =	vst v0  }
0x1a: {  	[tilespmem:s13+$0x10] =	vst v0  }
0x1b: {  	[tilespmem:s13+$0x0] =	vst v0  }
0x1c: {  	[tilespmem:s13+$0xFFFFFFF0] =	vst v0  }
0x1d: {  	s14 =	simm.s32 $0x0;
	[tilespmem:s13+$0xFFFFFFE0] =	vst v0  }
.LBB2_2:
0x1e: {  	s14 =	sadd.s32 $0x8, s14;
	[tilespmem:s13+$0xFFFFFFD0] =	vst v0;
	s13 =	sadd.s32 $0x80, s13  }
0x1f: {  	[tilespmem:s13+$0xFFFFFFC0] =	vst v0;
	p1 =	slt.u32 s14, $0x268  }
0x20: {  	[tilespmem:s13+$0x30] =	vst v0  }
.Ltmp0:
0x21: {  	[tilespmem:s13+$0x20] =	vst v0;
	(pc) =	sbr.rel @p1 .LBB2_2-.Ltmp0, $4  }
0x22: {  	[tilespmem:s13+$0x10] =	vst v0  }
0x23: {  	[tilespmem:s13+$0x0] =	vst v0  }
0x24: {  	[tilespmem:s13+$0xFFFFFFF0] =	vst v0  }
0x25: {  	[tilespmem:s13+$0xFFFFFFE0] =	vst v0  }
0x26: {  	[tilespmem:s13+$0xFFFFFFD0] =	vst v0  }
0x27: {  	s13 =	simm.s32 $0xFFFFFFF8;
	s14 =	simm.s32 $0x40;
	s15 =	simm.s32 $0x4F40;
	[tilespmem:$0x9D80] =	vst v0  }
.LBB2_4:
0x28: {  	v1 =	vld [tilespmem:s14+$0xFFFFFFC0];
	_ =	sdelay $0x2  }
0x29: {  	v2 =	vld [tilespmem:s15+$0xFFFFFFC0];
	_ =	sdelay $0x4  }
0x2a: {  	[tilespmem:v1+s9+$0x0] =	vst.idx.add.f32.msk $0xffff, v2  }
0x2b: {  	v1 =	vld [tilespmem:s14+$0xFFFFFFD0];
	_ =	sdelay $0x2  }
0x2c: {  	v2 =	vld [tilespmem:s15+$0xFFFFFFD0];
	_ =	sdelay $0x4  }
0x2d: {  	[tilespmem:v1+s9+$0x0] =	vst.idx.add.f32.msk $0xffff, v2  }
0x2e: {  	v1 =	vld [tilespmem:s14+$0xFFFFFFE0];
	_ =	sdelay $0x2  }
0x2f: {  	v2 =	vld [tilespmem:s15+$0xFFFFFFE0];
	_ =	sdelay $0x4  }
0x30: {  	[tilespmem:v1+s9+$0x0] =	vst.idx.add.f32.msk $0xffff, v2  }
0x31: {  	v1 =	vld [tilespmem:s14+$0xFFFFFFF0];
	_ =	sdelay $0x2  }
0x32: {  	v2 =	vld [tilespmem:s15+$0xFFFFFFF0];
	_ =	sdelay $0x4  }
0x33: {  	[tilespmem:v1+s9+$0x0] =	vst.idx.add.f32.msk $0xffff, v2  }
0x34: {  	v1 =	vld [tilespmem:s14+$0x0];
	_ =	sdelay $0x2  }
0x35: {  	v2 =	vld [tilespmem:s15+$0x0];
	_ =	sdelay $0x4  }
0x36: {  	[tilespmem:v1+s9+$0x0] =	vst.idx.add.f32.msk $0xffff, v2  }
0x37: {  	v1 =	vld [tilespmem:s14+$0x10];
	_ =	sdelay $0x2  }
0x38: {  	v2 =	vld [tilespmem:s15+$0x10];
	_ =	sdelay $0x4  }
0x39: {  	[tilespmem:v1+s9+$0x0] =	vst.idx.add.f32.msk $0xffff, v2  }
0x3a: {  	v1 =	vld [tilespmem:s14+$0x20];
	_ =	sdelay $0x2  }
0x3b: {  	v2 =	vld [tilespmem:s15+$0x20];
	_ =	sdelay $0x4  }
0x3c: {  	[tilespmem:v1+s9+$0x0] =	vst.idx.add.f32.msk $0xffff, v2  }
0x3d: {  	v1 =	vld [tilespmem:s14+$0x30];
	_ =	sdelay $0x1  }
0x3e: {  	s13 =	sadd.s32 $0x8, s13  }
0x3f: {  	p1 =	slt.u32 s13, $0x268;
	v2 =	vld [tilespmem:s15+$0x30]  }
.Ltmp1:
0x40: {  	_ = 	snop;
	(pc) =	sbr.rel @p1 .LBB2_4-.Ltmp1, $2  }
0x41: {  	_ =	sdelay $0x2  }
0x42: {  	s14 =	sadd.s32 $0x100, s14;
	s15 =	sadd.s32 $0x80, s15;
	[tilespmem:v1+s9+$0x0] =	vst.idx.add.f32.msk $0xffff, v2  }
0x43: {  	v1 =	vld @!p0 [tilespmem:$0x4E00];
	_ =	sdelay $0x2  }
0x44: {  	v2 =	vld @!p0 [tilespmem:$0x7600];
	_ =	sdelay $0x3  }
0x45: {  	s13 =	simm.s32 @!p0 $0x7680  }
0x46: {  	[tilespmem:v1+s13+$0x0] =	vst.idx.add.f32.msk @!p0 $0xffff, v2  }
0x47: {  	v1 =	vld @!p0 [tilespmem:$0x4E10];
	_ =	sdelay $0x2  }
0x48: {  	v2 =	vld @!p0 [tilespmem:$0x7610];
	_ =	sdelay $0x4  }
0x49: {  	[tilespmem:v1+s13+$0x0] =	vst.idx.add.f32.msk @!p0 $0xffff, v2  }
0x4a: {  	v1 =	vld @!p0 [tilespmem:$0x4E20];
	_ =	sdelay $0x2  }
0x4b: {  	v2 =	vld @!p0 [tilespmem:$0x7620];
	_ =	sdelay $0x4  }
0x4c: {  	[tilespmem:v1+s13+$0x0] =	vst.idx.add.f32.msk @!p0 $0xffff, v2  }
0x4d: {  	v1 =	vld @!p0 [tilespmem:$0x4E30];
	_ =	sdelay $0x2  }
0x4e: {  	v2 =	vld @!p0 [tilespmem:$0x7630];
	_ =	sdelay $0x4  }
0x4f: {  	[tilespmem:v1+s13+$0x0] =	vst.idx.add.f32.msk @!p0 $0xffff, v2  }
0x50: {  	v1 =	vld @!p0 [tilespmem:$0x4E40];
	_ =	sdelay $0x2  }
0x51: {  	v2 =	vld @!p0 [tilespmem:$0x7640];
	_ =	sdelay $0x4  }
0x52: {  	[tilespmem:v1+s13+$0x0] =	vst.idx.add.f32.msk @!p0 $0xffff, v2  }
0x53: {  	v1 =	vld @!p0 [tilespmem:$0x4E50];
	_ =	sdelay $0x2  }
0x54: {  	v2 =	vld @!p0 [tilespmem:$0x7650];
	_ =	sdelay $0x4  }
0x55: {  	[tilespmem:v1+s13+$0x0] =	vst.idx.add.f32.msk @!p0 $0xffff, v2  }
0x56: {  	v1 =	vld @!p0 [tilespmem:$0x4E60];
	_ =	sdelay $0x2  }
0x57: {  	v2 =	vld @!p0 [tilespmem:$0x7660];
	_ =	sdelay $0x4  }
0x58: {  	[tilespmem:v1+s13+$0x0] =	vst.idx.add.f32.msk @!p0 $0xffff, v2  }
0x59: {  	v1 =	vld @!p0 [tilespmem:$0x4E70];
	_ =	sdelay $0x2  }
0x5a: {  	v2 =	vld @!p0 [tilespmem:$0x7670];
	_ =	sdelay $0x2  }
0x5b: {  	s12 =	sadd.s32 $0x1, s12  }
0x5c: {  	p1 =	sne.s32 s12, s6  }
.Ltmp2:
0x5d: {  	[tilespmem:v1+s13+$0x0] =	vst.idx.add.f32.msk @!p0 $0xffff, v2;
	(pc) =	sbr.rel @p1 .LBB2_1-.Ltmp2, $4  }
0x5e: {  	[hbm4b:s5+s10] =	stream.strided.scatter [tilespmem:s9], [sflag:$0x1], $0x2780, s11, s10, $0x38;
	[tilespmem:$0x9E00] =	vst v63  }
0x5f: {  	_ =	swait.ge [sflag:s7], $0x2780  }
0x60: {  	[sflag:s7] =	ssyncset.done $0x0  }
0x61: {  	[sflag:s7] =	ssyncadd.s32 $0xFFFFD880  }
0x62: {  	_ =	sfence.sel $0x180000  }
0x63: {  	[bflag:$0x0] =	sbarrier.arrive $0xFFFF  }
0x64: {  	p0 =	sne.s32 s0, $0x0;
	_ =	strace $0x90000047  }
0x65: {  	s0 =	sadd.s32 @!p0 $0x100000, s1;
	[bflag:$0x2] =	sbarrier.arrive $0xFFFF  }
0x66: {  	[sflag:s0] =	ssyncadd.tile.s32 @!p0 $0x1;
	_ =	shalt  }
.Lfunc_end2:
_tile_overlayer_lowered:
.L_overlay_start_2:
0x67: {  	(tag) =	ssettag $0x2  }
0x68: {  	s0 =	rddreg [dreg:$0x0];
	s2 =	stileid.u32  }
0x69: {  	s1 =	rddreg [dreg:$0x1];
	p0 =	sne.s32 s2, $0x0  }
0x6a: {  	s3 =	rddreg [dreg:$0x2];
	[bflag:$0x3] =	sbarrier.arrive $0xFFFF;
	s2 =	simm.s32 @!p0 $0x1C01  }
0x6b: {  	[timem:s3], [sflag:s2] =	dma.local @!p0 [hbm:s0], s1  }
0x6c: {  	s0 =	simm.s32 @!p0 $0x1  }
0x6d: {  	_ =	swait.ge @!p0 [sflag:s0], s1  }
0x6e: {  	s1 =	ssub.s32 @!p0 $0x0, s1;
	[sflag:s0] =	ssyncset.done @!p0 $0x0  }
0x6f: {  	[sflag:s0] =	ssyncadd.s32 @!p0 s1  }
0x70: {  	[bflag:$0x3] =	sbarrier.arrive $0xFFFF  }
0x71: {  	_ =	shalt  }

</sc_bundles>
